<compile_context>
chip_gen: v7x
topology: tpu7x:2x2x1
jax: 0.10.2.dev20260603
libtpu: 0.0.44.dev20260713+nightly
codegen_flags: <defaults>
</compile_context>

<pallas_src>
import math

import jax
import jax.numpy as jnp
from jax.experimental import pallas as pl
from jax.experimental.pallas import tpu as pltpu

_B, _N, _D = 32, 577, 384
_H, _HD = 6, 64
_R = 16
_HID = _D * 4
_NP = (_N - 1) // 2
_NU = _NP - _R
_NM = _N - _R
_PT = 576
_HP = jax.lax.Precision.HIGHEST


def _ln(x, g, b, eps=1e-6):
    m = jnp.mean(x, axis=-1, keepdims=True)
    v = jnp.mean((x - m) * (x - m), axis=-1, keepdims=True)
    return (x - m) * jax.lax.rsqrt(v + eps) * g + b


def _gelu(x):
    return 0.5 * x * (1.0 + jax.lax.erf(x * (1.0 / math.sqrt(2.0))))


def _tome_kernel(xr_ref, clsp_ref, meta_ref, g1_ref, b1_ref,
                 qkvw_ref, qkvb_ref, projw_ref, projb_ref, g2_ref, b2_ref,
                 fc1w_ref, fc1b_ref, fc2w_ref, fc2b_ref, out_ref):
    xr = xr_ref[0]
    dstx = xr[:, :_D]
    srcx = xr[:, _D:]
    meta = meta_ref[0]
    nidx = meta[0:1]
    mrow = meta[1:2]
    pos = meta[2:3]

    ridx = jax.lax.broadcasted_iota(jnp.int32, (_NP, _NP), 0)
    nidx_i = nidx.astype(jnp.int32)
    pos_i = pos.astype(jnp.int32)
    merged = mrow == 1.0

    S = jnp.where((nidx_i == ridx) & merged, 1.0, 0.0)
    cnt = 1.0 + jnp.sum(S, axis=1, keepdims=True)
    rc = 1.0 / cnt
    rc = rc * (2.0 - cnt * rc)
    dst_tok = (dstx + jnp.dot(S, srcx, preferred_element_type=jnp.float32,
                              precision=_HP)) * rc

    P = jnp.where((pos_i == ridx) & (~merged), 1.0, 0.0)
    unm = jnp.dot(P, srcx, preferred_element_type=jnp.float32,
                  precision=_HP)

    t2 = jnp.concatenate([dst_tok, unm[:_NU], clsp_ref[0]], axis=0)

    g1 = g1_ref[...]
    b1 = b1_ref[...]
    xn2 = _ln(t2, g1, b1)
    qkv = jnp.dot(xn2, qkvw_ref[...],
                  preferred_element_type=jnp.float32) + qkvb_ref[...]
    kmask = jax.lax.broadcasted_iota(jnp.int32, (_PT, _PT), 1) < _NM
    scale = _HD ** -0.5
    outs = []
    for h in range(_H):
        q = jax.lax.slice(qkv, (0, h * _HD), (_PT, (h + 1) * _HD))
        k = jax.lax.slice(qkv, (0, _D + h * _HD), (_PT, _D + (h + 1) * _HD))
        v = jax.lax.slice(qkv, (0, 2 * _D + h * _HD),
                          (_PT, 2 * _D + (h + 1) * _HD))
        s = jax.lax.dot_general(q, k, (((1,), (1,)), ((), ())),
                                preferred_element_type=jnp.float32) * scale
        s = jnp.where(kmask, s, -1e30)
        s = s - jnp.max(s, axis=1, keepdims=True)
        e = jnp.exp(s)
        p = e / jnp.sum(e, axis=1, keepdims=True)
        outs.append(jnp.dot(p, v, preferred_element_type=jnp.float32))
    att = jnp.concatenate(outs, axis=1)

    x2 = t2 + jnp.dot(att, projw_ref[...],
                      preferred_element_type=jnp.float32) + projb_ref[...]
    hh = jnp.dot(_ln(x2, g2_ref[...], b2_ref[...]), fc1w_ref[...],
                 preferred_element_type=jnp.float32) + fc1b_ref[...]
    hh = _gelu(hh)
    out_ref[0] = x2 + jnp.dot(hh, fc2w_ref[...],
                              preferred_element_type=jnp.float32) + fc2b_ref[...]


@jax.jit
def kernel(x, ln1_g, ln1_b, qkv_w, qkv_b, proj_w, proj_b, ln2_g, ln2_b,
           fc1_w, fc1_b, fc2_w, fc2_b):
    b = x.shape[0]
    xn = _ln(x, ln1_g, ln1_b)
    qkv0 = (xn @ qkv_w + qkv_b).reshape(b, _N, 3, _H, _HD)
    pk = qkv0[:, :, 1].mean(axis=2)[:, 1:]
    nrm = jnp.linalg.norm(pk, axis=-1, keepdims=True)
    metric = pk / jnp.maximum(nrm, 1e-12)
    scores = jnp.einsum('bsc,bdc->bsd', metric[:, 1::2], metric[:, 0::2])
    node_max = scores.max(axis=-1)
    node_idx = scores.argmax(axis=-1)
    _, edge_idx = jax.lax.top_k(node_max, _R)
    mask = jnp.zeros((b, _NP), jnp.float32).at[
        jnp.arange(b)[:, None], edge_idx].set(1.0)
    inv = 1.0 - mask
    pos = jnp.cumsum(inv, axis=1) - inv
    meta = jnp.stack([node_idx.astype(jnp.float32), mask, pos], axis=1)
    meta = jnp.pad(meta, ((0, 0), (0, 5), (0, 0)))

    xr = x[:, 1:, :].reshape(b, _NP, 2 * _D)
    clsp = jnp.concatenate(
        [x[:, :1, :], jnp.zeros((b, 15, _D), x.dtype)], axis=1)

    def cspec(shape):
        return pl.BlockSpec(shape, lambda i: tuple(0 for _ in shape))

    out = pl.pallas_call(
        _tome_kernel,
        grid=(b,),
        in_specs=[
            pl.BlockSpec((1, _NP, 2 * _D), lambda i: (i, 0, 0)),
            pl.BlockSpec((1, 16, _D), lambda i: (i, 0, 0)),
            pl.BlockSpec((1, 8, _NP), lambda i: (i, 0, 0)),
            cspec((_D,)),
            cspec((_D,)),
            cspec((_D, 3 * _D)),
            cspec((3 * _D,)),
            cspec((_D, _D)),
            cspec((_D,)),
            cspec((_D,)),
            cspec((_D,)),
            cspec((_D, _HID)),
            cspec((_HID,)),
            cspec((_HID, _D)),
            cspec((_D,)),
        ],
        out_specs=pl.BlockSpec((1, _PT, _D), lambda i: (i, 0, 0)),
        out_shape=jax.ShapeDtypeStruct((b, _PT, _D), jnp.float32),
        compiler_params=pltpu.CompilerParams(
            dimension_semantics=("arbitrary",),
        ),
    )(xr, clsp, meta, ln1_g, ln1_b, qkv_w, qkv_b, proj_w, proj_b,
      ln2_g, ln2_b, fc1_w, fc1_b, fc2_w, fc2_b)

    return jnp.concatenate([out[:, _PT - 16:_PT - 15], out[:, :_NM - 1]],
                           axis=1)

# --- scband reference (transcript-rebuilt; emitter-appended) ---
"""Pipeline reference for scband-to-me-block-69982197121294 (READ-ONLY COPY).

The authoritative reference and input builder live on the scoring server;
editing this copy changes nothing except your own understanding.
"""

import jax, jax.numpy as jnp
import numpy as np

B, N, D = 32, 577, 384
H, HD = 6, 64
R = 16
HIDDEN = D * 4


def _ln(x, g, b, eps=1e-6):
    m = x.mean(-1, keepdims=True)
    v = jnp.var(x, axis=-1, keepdims=True)
    return (x - m) / jnp.sqrt(v + eps) * g + b


def setup_inputs(seed: int = 0):
    key = jax.random.key(seed)
    ks = jax.random.split(key, 8)
    s = 0.02
    return {
        "x": jax.random.normal(ks[0], (B, N, D), dtype=jnp.float32),
        "ln1_g": jnp.ones((D,), jnp.float32),
        "ln1_b": jnp.zeros((D,), jnp.float32),
        "qkv_w": jax.random.normal(ks[1], (D, 3 * D), dtype=jnp.float32) * s,
        "qkv_b": jnp.zeros((3 * D,), jnp.float32),
        "proj_w": jax.random.normal(ks[2], (D, D), dtype=jnp.float32) * s,
        "proj_b": jnp.zeros((D,), jnp.float32),
        "ln2_g": jnp.ones((D,), jnp.float32),
        "ln2_b": jnp.zeros((D,), jnp.float32),
        "fc1_w": jax.random.normal(ks[3], (D, HIDDEN), dtype=jnp.float32) * s,
        "fc1_b": jnp.zeros((HIDDEN,), jnp.float32),
        "fc2_w": jax.random.normal(ks[4], (HIDDEN, D), dtype=jnp.float32) * s,
        "fc2_b": jnp.zeros((D,), jnp.float32),
    }


def reference(x, ln1_g, ln1_b, qkv_w, qkv_b, proj_w, proj_b, ln2_g, ln2_b, fc1_w, fc1_b, fc2_w, fc2_b):
    b, n, d = x.shape
    r = min(R, (n - 1) // 2)
    # --- ToMe token merging (before attention) ---
    x_norm = _ln(x, ln1_g, ln1_b)
    qkv = (x_norm @ qkv_w + qkv_b).reshape(b, n, 3, H, HD)
    keys = qkv[:, :, 1].mean(axis=2)  # [b, n, HD] head-averaged keys
    cls_tok = x[:, :1]
    patch = x[:, 1:]
    pk = keys[:, 1:]
    nrm = jnp.linalg.norm(pk, axis=-1, keepdims=True)
    metric = pk / jnp.maximum(nrm, 1e-12)
    dst_feat = metric[:, 0::2]
    src_feat = metric[:, 1::2]
    n_dst = dst_feat.shape[1]
    n_src = src_feat.shape[1]
    scores = jnp.einsum('bsc,bdc->bsd', src_feat, dst_feat)
    node_max = scores.max(axis=-1)
    node_idx = scores.argmax(axis=-1)
    _, edge_idx = jax.lax.top_k(node_max, r)
    dst_tokens = patch[:, 0::2]
    src_tokens = patch[:, 1::2]
    bidx = jnp.arange(b)[:, None]
    merged_dst = jnp.take_along_axis(node_idx, edge_idx, axis=1)  # [b, r]
    merged_src = jnp.take_along_axis(src_tokens, edge_idx[:, :, None], axis=1)  # [b, r, d]
    dst_tokens = dst_tokens.at[bidx, merged_dst].add(merged_src)
    counts = jnp.ones((b, n_dst, 1), x.dtype).at[bidx, merged_dst].add(1.0)
    dst_tokens = dst_tokens / counts
    mask = jnp.zeros((b, n_src), jnp.int32).at[bidx, edge_idx].set(1)
    unm_idx = jnp.argsort(mask, axis=1)[:, : n_src - r]  # stable: preserves order of unmerged
    unmerged = jnp.take_along_axis(src_tokens, unm_idx[:, :, None], axis=1)
    patch_merged = jnp.concatenate([dst_tokens, unmerged], axis=1)
    x = jnp.concatenate([cls_tok, patch_merged], axis=1)  # [b, n-r, d]
    # --- standard ViT block on merged tokens ---
    nn2 = x.shape[1]
    xn = _ln(x, ln1_g, ln1_b)
    qkv2 = (xn @ qkv_w + qkv_b).reshape(b, nn2, 3, H, HD)
    q = jnp.transpose(qkv2[:, :, 0], (0, 2, 1, 3))
    k = jnp.transpose(qkv2[:, :, 1], (0, 2, 1, 3))
    v = jnp.transpose(qkv2[:, :, 2], (0, 2, 1, 3))
    attn = jax.nn.softmax((q @ jnp.swapaxes(k, -1, -2)) * (HD ** -0.5), axis=-1)
    out = jnp.transpose(attn @ v, (0, 2, 1, 3)).reshape(b, nn2, d)
    x = x + (out @ proj_w + proj_b)
    h = jax.nn.gelu(_ln(x, ln2_g, ln2_b) @ fc1_w + fc1_b, approximate=False)
    x = x + (h @ fc2_w + fc2_b)
    return x

if __name__ == "__main__":
    import jax
    _d = setup_inputs()
    print(jax.jit(kernel)(*tuple(_d.values())))

</pallas_src>

<mosaic_0001>
module attributes {stable_mosaic.version = 14 : i64} {
  func.func @_tome_kernel(%arg0: i32, %arg1: memref<1x288x768xf32, #tpu.memory_space<vmem>>, %arg2: memref<1x16x384xf32, #tpu.memory_space<vmem>>, %arg3: memref<1x8x288xf32, #tpu.memory_space<vmem>>, %arg4: memref<384xf32, #tpu.memory_space<vmem>>, %arg5: memref<384xf32, #tpu.memory_space<vmem>>, %arg6: memref<384x1152xf32, #tpu.memory_space<vmem>>, %arg7: memref<1152xf32, #tpu.memory_space<vmem>>, %arg8: memref<384x384xf32, #tpu.memory_space<vmem>>, %arg9: memref<384xf32, #tpu.memory_space<vmem>>, %arg10: memref<384xf32, #tpu.memory_space<vmem>>, %arg11: memref<384xf32, #tpu.memory_space<vmem>>, %arg12: memref<384x1536xf32, #tpu.memory_space<vmem>>, %arg13: memref<1536xf32, #tpu.memory_space<vmem>>, %arg14: memref<1536x384xf32, #tpu.memory_space<vmem>>, %arg15: memref<384xf32, #tpu.memory_space<vmem>>, %arg16: memref<1x576x384xf32, #tpu.memory_space<vmem>>) attributes {dimension_semantics = [#tpu.dimension_semantics<arbitrary>], iteration_bounds = array<i64: 32>, scalar_prefetch = 0 : i64, scratch_operands = 0 : i64, tpu.core_type = #tpu.core_type<tc>, window_params = [{transform_indices = @transform_0, window_bounds = array<i64: 1, 288, 768>}, {transform_indices = @transform_1, window_bounds = array<i64: 1, 16, 384>}, {transform_indices = @transform_2, window_bounds = array<i64: 1, 8, 288>}, {pipeline_mode = #tpu.pipeline_mode<synchronous>, transform_indices = @transform_3, window_bounds = array<i64: 384>}, {pipeline_mode = #tpu.pipeline_mode<synchronous>, transform_indices = @transform_4, window_bounds = array<i64: 384>}, {pipeline_mode = #tpu.pipeline_mode<synchronous>, transform_indices = @transform_5, window_bounds = array<i64: 384, 1152>}, {pipeline_mode = #tpu.pipeline_mode<synchronous>, transform_indices = @transform_6, window_bounds = array<i64: 1152>}, {pipeline_mode = #tpu.pipeline_mode<synchronous>, transform_indices = @transform_7, window_bounds = array<i64: 384, 384>}, {pipeline_mode = #tpu.pipeline_mode<synchronous>, transform_indices = @transform_8, window_bounds = array<i64: 384>}, {pipeline_mode = #tpu.pipeline_mode<synchronous>, transform_indices = @transform_9, window_bounds = array<i64: 384>}, {pipeline_mode = #tpu.pipeline_mode<synchronous>, transform_indices = @transform_10, window_bounds = array<i64: 384>}, {pipeline_mode = #tpu.pipeline_mode<synchronous>, transform_indices = @transform_11, window_bounds = array<i64: 384, 1536>}, {pipeline_mode = #tpu.pipeline_mode<synchronous>, transform_indices = @transform_12, window_bounds = array<i64: 1536>}, {pipeline_mode = #tpu.pipeline_mode<synchronous>, transform_indices = @transform_13, window_bounds = array<i64: 1536, 384>}, {pipeline_mode = #tpu.pipeline_mode<synchronous>, transform_indices = @transform_14, window_bounds = array<i64: 384>}, {transform_indices = @transform_15, window_bounds = array<i64: 1, 576, 384>}]} {
    %get3A = arith.constant 0 : index
    %get3A_0 = arith.constant 0 : index
    %get3A_1 = arith.constant 0 : index
    %get3A_2 = vector.load %arg1[%get3A, %get3A_0, %get3A_1] : memref<1x288x768xf32, #tpu.memory_space<vmem>>, vector<1x288x768xf32>
    %get3A_3 = vector.shape_cast %get3A_2 : vector<1x288x768xf32> to vector<288x768xf32>
    %slice3A = vector.extract_strided_slice %get3A_3 {offsets = [0, 0], sizes = [288, 384], strides = [1, 1]} : vector<288x768xf32> to vector<288x384xf32>
    %slice3A_4 = vector.extract_strided_slice %get3A_3 {offsets = [0, 384], sizes = [288, 384], strides = [1, 1]} : vector<288x768xf32> to vector<288x384xf32>
    %get3A_5 = arith.constant 0 : index
    %get3A_6 = arith.constant 0 : index
    %get3A_7 = arith.constant 0 : index
    %get3A_8 = vector.load %arg3[%get3A_5, %get3A_6, %get3A_7] : memref<1x8x288xf32, #tpu.memory_space<vmem>>, vector<1x8x288xf32>
    %get3A_9 = vector.shape_cast %get3A_8 : vector<1x8x288xf32> to vector<8x288xf32>
    %slice3A_10 = vector.extract_strided_slice %get3A_9 {offsets = [0, 0], sizes = [1, 288], strides = [1, 1]} : vector<8x288xf32> to vector<1x288xf32>
    %slice3A_11 = vector.extract_strided_slice %get3A_9 {offsets = [1, 0], sizes = [1, 288], strides = [1, 1]} : vector<8x288xf32> to vector<1x288xf32>
    %slice3A_12 = vector.extract_strided_slice %get3A_9 {offsets = [2, 0], sizes = [1, 288], strides = [1, 1]} : vector<8x288xf32> to vector<1x288xf32>
    %iota3A = tpu.iota {dimensions = array<i32: 0>} : vector<288x288xi32>
    %convert_element_type3A = arith.fptosi %slice3A_10 : vector<1x288xf32> to vector<1x288xi32>
    %convert_element_type3A_13 = arith.fptosi %slice3A_12 : vector<1x288xf32> to vector<1x288xi32>
    %eq3A = arith.constant 1.000000e+00 : f32
    %eq3A_14 = vector.broadcast %eq3A : f32 to vector<1x288xf32>
    %eq3A_15 = arith.cmpf oeq, %slice3A_11, %eq3A_14 : vector<1x288xf32>
    %eq3A_16 = vector.broadcast %convert_element_type3A : vector<1x288xi32> to vector<288x288xi32>
    %eq3A_17 = arith.cmpi eq, %eq3A_16, %iota3A : vector<288x288xi32>
    %and3A = vector.broadcast %eq3A_15 : vector<1x288xi1> to vector<288x288xi1>
    %and3A_18 = arith.andi %eq3A_17, %and3A : vector<288x288xi1>
    %jit3A = arith.constant 1.000000e+00 : f32
    %jit3A_19 = arith.constant 0.000000e+00 : f32
    %broadcast_in_dim3A = vector.broadcast %jit3A : f32 to vector<288x288xf32>
    %broadcast_in_dim3A_20 = vector.broadcast %jit3A_19 : f32 to vector<288x288xf32>
    %select_n3A = arith.select %and3A_18, %broadcast_in_dim3A, %broadcast_in_dim3A_20 : vector<288x288xi1>, vector<288x288xf32>
    %reduce_sum3A = arith.constant dense<0.000000e+00> : vector<288xf32>
    %reduce_sum3A_21 = vector.multi_reduction <add>, %select_n3A, %reduce_sum3A [1] : vector<288x288xf32> to vector<288xf32>
    %broadcast_in_dim3A_22 = vector.shape_cast %reduce_sum3A_21 : vector<288xf32> to vector<288x1xf32>
    %add3A = arith.constant 1.000000e+00 : f32
    %add3A_23 = vector.broadcast %add3A : f32 to vector<288x1xf32>
    %add3A_24 = arith.addf %add3A_23, %broadcast_in_dim3A_22 : vector<288x1xf32>
    %div3A = arith.constant 1.000000e+00 : f32
    %div3A_25 = vector.broadcast %div3A : f32 to vector<288x1xf32>
    %div3A_26 = arith.divf %div3A_25, %add3A_24 : vector<288x1xf32>
    %mul3A = arith.mulf %add3A_24, %div3A_26 : vector<288x1xf32>
    %sub3A = arith.constant 2.000000e+00 : f32
    %sub3A_27 = vector.broadcast %sub3A : f32 to vector<288x1xf32>
    %sub3A_28 = arith.subf %sub3A_27, %mul3A : vector<288x1xf32>
    %mul3A_29 = arith.mulf %div3A_26, %sub3A_28 : vector<288x1xf32>
    %dot_general3A = arith.constant dense<0.000000e+00> : vector<288x384xf32>
    %dot_general3A_30 = tpu.matmul %select_n3A, %slice3A_4, %dot_general3A {dimension_numbers = #tpu.dot_dimension_numbers<[1], [0], [0], [1], [0, 0, 1, 1], [], []>, precision = #tpu.contract_precision<fp32>, transpose_lhs_hint = false} : vector<288x288xf32>, vector<288x384xf32>, vector<288x384xf32> -> vector<288x384xf32>
    %add3A_31 = arith.addf %slice3A, %dot_general3A_30 : vector<288x384xf32>
    %mul3A_32 = vector.broadcast %mul3A_29 : vector<288x1xf32> to vector<288x384xf32>
    %mul3A_33 = arith.mulf %add3A_31, %mul3A_32 : vector<288x384xf32>
    %eq3A_34 = vector.broadcast %convert_element_type3A_13 : vector<1x288xi32> to vector<288x288xi32>
    %eq3A_35 = arith.cmpi eq, %eq3A_34, %iota3A : vector<288x288xi32>
    %not3A = arith.constant dense<true> : vector<1x288xi1>
    %not3A_36 = arith.xori %eq3A_15, %not3A : vector<1x288xi1>
    %and3A_37 = vector.broadcast %not3A_36 : vector<1x288xi1> to vector<288x288xi1>
    %and3A_38 = arith.andi %eq3A_35, %and3A_37 : vector<288x288xi1>
    %jit3A_39 = arith.constant 1.000000e+00 : f32
    %jit3A_40 = arith.constant 0.000000e+00 : f32
    %broadcast_in_dim3A_41 = vector.broadcast %jit3A_39 : f32 to vector<288x288xf32>
    %broadcast_in_dim3A_42 = vector.broadcast %jit3A_40 : f32 to vector<288x288xf32>
    %select_n3A_43 = arith.select %and3A_38, %broadcast_in_dim3A_41, %broadcast_in_dim3A_42 : vector<288x288xi1>, vector<288x288xf32>
    %dot_general3A_44 = arith.constant dense<0.000000e+00> : vector<288x384xf32>
    %dot_general3A_45 = tpu.matmul %select_n3A_43, %slice3A_4, %dot_general3A_44 {dimension_numbers = #tpu.dot_dimension_numbers<[1], [0], [0], [1], [0, 0, 1, 1], [], []>, precision = #tpu.contract_precision<fp32>, transpose_lhs_hint = false} : vector<288x288xf32>, vector<288x384xf32>, vector<288x384xf32> -> vector<288x384xf32>
    %slice3A_46 = vector.extract_strided_slice %dot_general3A_45 {offsets = [0, 0], sizes = [272, 384], strides = [1, 1]} : vector<288x384xf32> to vector<272x384xf32>
    %get3A_47 = arith.constant 0 : index
    %get3A_48 = arith.constant 0 : index
    %get3A_49 = arith.constant 0 : index
    %get3A_50 = vector.load %arg2[%get3A_47, %get3A_48, %get3A_49] : memref<1x16x384xf32, #tpu.memory_space<vmem>>, vector<1x16x384xf32>
    %get3A_51 = vector.shape_cast %get3A_50 : vector<1x16x384xf32> to vector<16x384xf32>
    %concatenate3A = tpu.concatenate %mul3A_33, %slice3A_46, %get3A_51 in 0 : vector<288x384xf32>, vector<272x384xf32>, vector<16x384xf32> -> vector<576x384xf32>
    %get3A_52 = arith.constant 0 : index
    %get3A_53 = vector.load %arg4[%get3A_52] : memref<384xf32, #tpu.memory_space<vmem>>, vector<384xf32>
    %get3A_54 = arith.constant 0 : index
    %get3A_55 = vector.load %arg5[%get3A_54] : memref<384xf32, #tpu.memory_space<vmem>>, vector<384xf32>
    %reduce_sum3A_56 = arith.constant dense<0.000000e+00> : vector<576xf32>
    %reduce_sum3A_57 = vector.multi_reduction <add>, %concatenate3A, %reduce_sum3A_56 [1] : vector<576x384xf32> to vector<576xf32>
    %broadcast_in_dim3A_58 = vector.shape_cast %reduce_sum3A_57 : vector<576xf32> to vector<576x1xf32>
    %div3A_59 = arith.constant 3.840000e+02 : f32
    %div3A_60 = vector.broadcast %div3A_59 : f32 to vector<576x1xf32>
    %div3A_61 = arith.divf %broadcast_in_dim3A_58, %div3A_60 : vector<576x1xf32>
    %jit3A_62 = arith.constant 0 : i32
    %reduce_sum3A_63 = arith.constant dense<0.000000e+00> : vector<576xf32>
    %reduce_sum3A_64 = vector.multi_reduction <add>, %concatenate3A, %reduce_sum3A_63 [1] : vector<576x384xf32> to vector<576xf32>
    %broadcast_in_dim3A_65 = vector.shape_cast %reduce_sum3A_64 : vector<576xf32> to vector<576x1xf32>
    %div3A_66 = arith.constant 3.840000e+02 : f32
    %div3A_67 = vector.broadcast %div3A_66 : f32 to vector<576x1xf32>
    %div3A_68 = arith.divf %broadcast_in_dim3A_65, %div3A_67 : vector<576x1xf32>
    %sub3A_69 = vector.broadcast %div3A_68 : vector<576x1xf32> to vector<576x384xf32>
    %sub3A_70 = arith.subf %concatenate3A, %sub3A_69 : vector<576x384xf32>
    %square3A = arith.mulf %sub3A_70, %sub3A_70 : vector<576x384xf32>
    %convert_element_type3A_71 = arith.sitofp %jit3A_62 : i32 to f32
    %sub3A_72 = arith.constant 3.840000e+02 : f32
    %sub3A_73 = arith.subf %sub3A_72, %convert_element_type3A_71 : f32
    %reduce_sum3A_74 = arith.constant dense<0.000000e+00> : vector<576xf32>
    %reduce_sum3A_75 = vector.multi_reduction <add>, %square3A, %reduce_sum3A_74 [1] : vector<576x384xf32> to vector<576xf32>
    %broadcast_in_dim3A_76 = vector.shape_cast %reduce_sum3A_75 : vector<576xf32> to vector<576x1xf32>
    %div3A_77 = vector.broadcast %sub3A_73 : f32 to vector<576x1xf32>
    %div3A_78 = arith.divf %broadcast_in_dim3A_76, %div3A_77 : vector<576x1xf32>
    %gt3A = arith.constant 0.000000e+00 : f32
    %gt3A_79 = arith.cmpf ogt, %sub3A_73, %gt3A : f32
    %jit3A_80 = arith.constant 0x7FC00000 : f32
    %broadcast_in_dim3A_81 = vector.broadcast %jit3A_80 : f32 to vector<576x1xf32>
    %select_n3A_82 = arith.select %gt3A_79, %div3A_78, %broadcast_in_dim3A_81 : vector<576x1xf32>
    %sub3A_83 = vector.broadcast %div3A_61 : vector<576x1xf32> to vector<576x384xf32>
    %sub3A_84 = arith.subf %concatenate3A, %sub3A_83 : vector<576x384xf32>
    %add3A_85 = arith.constant 9.99999997E-7 : f32
    %add3A_86 = vector.broadcast %add3A_85 : f32 to vector<576x1xf32>
    %add3A_87 = arith.addf %select_n3A_82, %add3A_86 : vector<576x1xf32>
    %sqrt3A = math.sqrt %add3A_87 : vector<576x1xf32>
    %div3A_88 = vector.broadcast %sqrt3A : vector<576x1xf32> to vector<576x384xf32>
    %div3A_89 = arith.divf %sub3A_84, %div3A_88 : vector<576x384xf32>
    %broadcast_in_dim3A_90 = vector.shape_cast %get3A_53 : vector<384xf32> to vector<1x384xf32>
    %mul3A_91 = vector.broadcast %broadcast_in_dim3A_90 : vector<1x384xf32> to vector<576x384xf32>
    %mul3A_92 = arith.mulf %div3A_89, %mul3A_91 : vector<576x384xf32>
    %broadcast_in_dim3A_93 = vector.shape_cast %get3A_55 : vector<384xf32> to vector<1x384xf32>
    %add3A_94 = vector.broadcast %broadcast_in_dim3A_93 : vector<1x384xf32> to vector<576x384xf32>
    %add3A_95 = arith.addf %mul3A_92, %add3A_94 : vector<576x384xf32>
    %get3A_96 = arith.constant 0 : index
    %get3A_97 = arith.constant 0 : index
    %get3A_98 = vector.load %arg6[%get3A_96, %get3A_97] : memref<384x1152xf32, #tpu.memory_space<vmem>>, vector<384x1152xf32>
    %dot_general3A_99 = arith.constant dense<0.000000e+00> : vector<576x1152xf32>
    %dot_general3A_100 = tpu.matmul %add3A_95, %get3A_98, %dot_general3A_99 {dimension_numbers = #tpu.dot_dimension_numbers<[1], [0], [0], [1], [0, 0, 1, 1], [], []>, transpose_lhs_hint = false} : vector<576x384xf32>, vector<384x1152xf32>, vector<576x1152xf32> -> vector<576x1152xf32>
    %get3A_101 = arith.constant 0 : index
    %get3A_102 = vector.load %arg7[%get3A_101] : memref<1152xf32, #tpu.memory_space<vmem>>, vector<1152xf32>
    %broadcast_in_dim3A_103 = vector.shape_cast %get3A_102 : vector<1152xf32> to vector<1x1152xf32>
    %add3A_104 = vector.broadcast %broadcast_in_dim3A_103 : vector<1x1152xf32> to vector<576x1152xf32>
    %add3A_105 = arith.addf %dot_general3A_100, %add3A_104 : vector<576x1152xf32>
    %iota3A_106 = tpu.iota {dimensions = array<i32: 1>} : vector<576x576xi32>
    %lt3A = arith.constant 561 : i32
    %lt3A_107 = vector.broadcast %lt3A : i32 to vector<576x576xi32>
    %lt3A_108 = arith.cmpi slt, %iota3A_106, %lt3A_107 : vector<576x576xi32>
    %slice3A_109 = vector.extract_strided_slice %add3A_105 {offsets = [0, 0], sizes = [576, 64], strides = [1, 1]} : vector<576x1152xf32> to vector<576x64xf32>
    %slice3A_110 = vector.extract_strided_slice %add3A_105 {offsets = [0, 384], sizes = [576, 64], strides = [1, 1]} : vector<576x1152xf32> to vector<576x64xf32>
    %slice3A_111 = vector.extract_strided_slice %add3A_105 {offsets = [0, 768], sizes = [576, 64], strides = [1, 1]} : vector<576x1152xf32> to vector<576x64xf32>
    %dot_general3A_112 = arith.constant dense<0.000000e+00> : vector<576x576xf32>
    %dot_general3A_113 = tpu.matmul %slice3A_109, %slice3A_110, %dot_general3A_112 {dimension_numbers = #tpu.dot_dimension_numbers<[1], [1], [0], [0], [0, 0, 1, 0], [], []>, transpose_lhs_hint = false} : vector<576x64xf32>, vector<576x64xf32>, vector<576x576xf32> -> vector<576x576xf32>
    %mul3A_114 = arith.constant 1.250000e-01 : f32
    %mul3A_115 = vector.broadcast %mul3A_114 : f32 to vector<576x576xf32>
    %mul3A_116 = arith.mulf %dot_general3A_113, %mul3A_115 : vector<576x576xf32>
    %jit3A_117 = arith.constant -1.000000e+30 : f32
    %broadcast_in_dim3A_118 = vector.broadcast %jit3A_117 : f32 to vector<576x576xf32>
    %select_n3A_119 = arith.select %lt3A_108, %mul3A_116, %broadcast_in_dim3A_118 : vector<576x576xi1>, vector<576x576xf32>
    %reduce_max3A = arith.constant dense<0xFF800000> : vector<576xf32>
    %reduce_max3A_120 = vector.multi_reduction <maximumf>, %select_n3A_119, %reduce_max3A [1] : vector<576x576xf32> to vector<576xf32>
    %broadcast_in_dim3A_121 = vector.shape_cast %reduce_max3A_120 : vector<576xf32> to vector<576x1xf32>
    %sub3A_122 = vector.broadcast %broadcast_in_dim3A_121 : vector<576x1xf32> to vector<576x576xf32>
    %sub3A_123 = arith.subf %select_n3A_119, %sub3A_122 : vector<576x576xf32>
    %exp3A = math.exp %sub3A_123 : vector<576x576xf32>
    %reduce_sum3A_124 = arith.constant dense<0.000000e+00> : vector<576xf32>
    %reduce_sum3A_125 = vector.multi_reduction <add>, %exp3A, %reduce_sum3A_124 [1] : vector<576x576xf32> to vector<576xf32>
    %broadcast_in_dim3A_126 = vector.shape_cast %reduce_sum3A_125 : vector<576xf32> to vector<576x1xf32>
    %div3A_127 = vector.broadcast %broadcast_in_dim3A_126 : vector<576x1xf32> to vector<576x576xf32>
    %div3A_128 = arith.divf %exp3A, %div3A_127 : vector<576x576xf32>
    %dot_general3A_129 = arith.constant dense<0.000000e+00> : vector<576x64xf32>
    %dot_general3A_130 = tpu.matmul %div3A_128, %slice3A_111, %dot_general3A_129 {dimension_numbers = #tpu.dot_dimension_numbers<[1], [0], [0], [1], [0, 0, 1, 1], [], []>, transpose_lhs_hint = false} : vector<576x576xf32>, vector<576x64xf32>, vector<576x64xf32> -> vector<576x64xf32>
    %slice3A_131 = vector.extract_strided_slice %add3A_105 {offsets = [0, 64], sizes = [576, 64], strides = [1, 1]} : vector<576x1152xf32> to vector<576x64xf32>
    %slice3A_132 = vector.extract_strided_slice %add3A_105 {offsets = [0, 448], sizes = [576, 64], strides = [1, 1]} : vector<576x1152xf32> to vector<576x64xf32>
    %slice3A_133 = vector.extract_strided_slice %add3A_105 {offsets = [0, 832], sizes = [576, 64], strides = [1, 1]} : vector<576x1152xf32> to vector<576x64xf32>
    %dot_general3A_134 = arith.constant dense<0.000000e+00> : vector<576x576xf32>
    %dot_general3A_135 = tpu.matmul %slice3A_131, %slice3A_132, %dot_general3A_134 {dimension_numbers = #tpu.dot_dimension_numbers<[1], [1], [0], [0], [0, 0, 1, 0], [], []>, transpose_lhs_hint = false} : vector<576x64xf32>, vector<576x64xf32>, vector<576x576xf32> -> vector<576x576xf32>
    %mul3A_136 = arith.constant 1.250000e-01 : f32
    %mul3A_137 = vector.broadcast %mul3A_136 : f32 to vector<576x576xf32>
    %mul3A_138 = arith.mulf %dot_general3A_135, %mul3A_137 : vector<576x576xf32>
    %jit3A_139 = arith.constant -1.000000e+30 : f32
    %broadcast_in_dim3A_140 = vector.broadcast %jit3A_139 : f32 to vector<576x576xf32>
    %select_n3A_141 = arith.select %lt3A_108, %mul3A_138, %broadcast_in_dim3A_140 : vector<576x576xi1>, vector<576x576xf32>
    %reduce_max3A_142 = arith.constant dense<0xFF800000> : vector<576xf32>
    %reduce_max3A_143 = vector.multi_reduction <maximumf>, %select_n3A_141, %reduce_max3A_142 [1] : vector<576x576xf32> to vector<576xf32>
    %broadcast_in_dim3A_144 = vector.shape_cast %reduce_max3A_143 : vector<576xf32> to vector<576x1xf32>
    %sub3A_145 = vector.broadcast %broadcast_in_dim3A_144 : vector<576x1xf32> to vector<576x576xf32>
    %sub3A_146 = arith.subf %select_n3A_141, %sub3A_145 : vector<576x576xf32>
    %exp3A_147 = math.exp %sub3A_146 : vector<576x576xf32>
    %reduce_sum3A_148 = arith.constant dense<0.000000e+00> : vector<576xf32>
    %reduce_sum3A_149 = vector.multi_reduction <add>, %exp3A_147, %reduce_sum3A_148 [1] : vector<576x576xf32> to vector<576xf32>
    %broadcast_in_dim3A_150 = vector.shape_cast %reduce_sum3A_149 : vector<576xf32> to vector<576x1xf32>
    %div3A_151 = vector.broadcast %broadcast_in_dim3A_150 : vector<576x1xf32> to vector<576x576xf32>
    %div3A_152 = arith.divf %exp3A_147, %div3A_151 : vector<576x576xf32>
    %dot_general3A_153 = arith.constant dense<0.000000e+00> : vector<576x64xf32>
    %dot_general3A_154 = tpu.matmul %div3A_152, %slice3A_133, %dot_general3A_153 {dimension_numbers = #tpu.dot_dimension_numbers<[1], [0], [0], [1], [0, 0, 1, 1], [], []>, transpose_lhs_hint = false} : vector<576x576xf32>, vector<576x64xf32>, vector<576x64xf32> -> vector<576x64xf32>
    %slice3A_155 = vector.extract_strided_slice %add3A_105 {offsets = [0, 128], sizes = [576, 64], strides = [1, 1]} : vector<576x1152xf32> to vector<576x64xf32>
    %slice3A_156 = vector.extract_strided_slice %add3A_105 {offsets = [0, 512], sizes = [576, 64], strides = [1, 1]} : vector<576x1152xf32> to vector<576x64xf32>
    %slice3A_157 = vector.extract_strided_slice %add3A_105 {offsets = [0, 896], sizes = [576, 64], strides = [1, 1]} : vector<576x1152xf32> to vector<576x64xf32>
    %dot_general3A_158 = arith.constant dense<0.000000e+00> : vector<576x576xf32>
    %dot_general3A_159 = tpu.matmul %slice3A_155, %slice3A_156, %dot_general3A_158 {dimension_numbers = #tpu.dot_dimension_numbers<[1], [1], [0], [0], [0, 0, 1, 0], [], []>, transpose_lhs_hint = false} : vector<576x64xf32>, vector<576x64xf32>, vector<576x576xf32> -> vector<576x576xf32>
    %mul3A_160 = arith.constant 1.250000e-01 : f32
    %mul3A_161 = vector.broadcast %mul3A_160 : f32 to vector<576x576xf32>
    %mul3A_162 = arith.mulf %dot_general3A_159, %mul3A_161 : vector<576x576xf32>
    %jit3A_163 = arith.constant -1.000000e+30 : f32
    %broadcast_in_dim3A_164 = vector.broadcast %jit3A_163 : f32 to vector<576x576xf32>
    %select_n3A_165 = arith.select %lt3A_108, %mul3A_162, %broadcast_in_dim3A_164 : vector<576x576xi1>, vector<576x576xf32>
    %reduce_max3A_166 = arith.constant dense<0xFF800000> : vector<576xf32>
    %reduce_max3A_167 = vector.multi_reduction <maximumf>, %select_n3A_165, %reduce_max3A_166 [1] : vector<576x576xf32> to vector<576xf32>
    %broadcast_in_dim3A_168 = vector.shape_cast %reduce_max3A_167 : vector<576xf32> to vector<576x1xf32>
    %sub3A_169 = vector.broadcast %broadcast_in_dim3A_168 : vector<576x1xf32> to vector<576x576xf32>
    %sub3A_170 = arith.subf %select_n3A_165, %sub3A_169 : vector<576x576xf32>
    %exp3A_171 = math.exp %sub3A_170 : vector<576x576xf32>
    %reduce_sum3A_172 = arith.constant dense<0.000000e+00> : vector<576xf32>
    %reduce_sum3A_173 = vector.multi_reduction <add>, %exp3A_171, %reduce_sum3A_172 [1] : vector<576x576xf32> to vector<576xf32>
    %broadcast_in_dim3A_174 = vector.shape_cast %reduce_sum3A_173 : vector<576xf32> to vector<576x1xf32>
    %div3A_175 = vector.broadcast %broadcast_in_dim3A_174 : vector<576x1xf32> to vector<576x576xf32>
    %div3A_176 = arith.divf %exp3A_171, %div3A_175 : vector<576x576xf32>
    %dot_general3A_177 = arith.constant dense<0.000000e+00> : vector<576x64xf32>
    %dot_general3A_178 = tpu.matmul %div3A_176, %slice3A_157, %dot_general3A_177 {dimension_numbers = #tpu.dot_dimension_numbers<[1], [0], [0], [1], [0, 0, 1, 1], [], []>, transpose_lhs_hint = false} : vector<576x576xf32>, vector<576x64xf32>, vector<576x64xf32> -> vector<576x64xf32>
    %slice3A_179 = vector.extract_strided_slice %add3A_105 {offsets = [0, 192], sizes = [576, 64], strides = [1, 1]} : vector<576x1152xf32> to vector<576x64xf32>
    %slice3A_180 = vector.extract_strided_slice %add3A_105 {offsets = [0, 576], sizes = [576, 64], strides = [1, 1]} : vector<576x1152xf32> to vector<576x64xf32>
    %slice3A_181 = vector.extract_strided_slice %add3A_105 {offsets = [0, 960], sizes = [576, 64], strides = [1, 1]} : vector<576x1152xf32> to vector<576x64xf32>
    %dot_general3A_182 = arith.constant dense<0.000000e+00> : vector<576x576xf32>
    %dot_general3A_183 = tpu.matmul %slice3A_179, %slice3A_180, %dot_general3A_182 {dimension_numbers = #tpu.dot_dimension_numbers<[1], [1], [0], [0], [0, 0, 1, 0], [], []>, transpose_lhs_hint = false} : vector<576x64xf32>, vector<576x64xf32>, vector<576x576xf32> -> vector<576x576xf32>
    %mul3A_184 = arith.constant 1.250000e-01 : f32
    %mul3A_185 = vector.broadcast %mul3A_184 : f32 to vector<576x576xf32>
    %mul3A_186 = arith.mulf %dot_general3A_183, %mul3A_185 : vector<576x576xf32>
    %jit3A_187 = arith.constant -1.000000e+30 : f32
    %broadcast_in_dim3A_188 = vector.broadcast %jit3A_187 : f32 to vector<576x576xf32>
    %select_n3A_189 = arith.select %lt3A_108, %mul3A_186, %broadcast_in_dim3A_188 : vector<576x576xi1>, vector<576x576xf32>
    %reduce_max3A_190 = arith.constant dense<0xFF800000> : vector<576xf32>
    %reduce_max3A_191 = vector.multi_reduction <maximumf>, %select_n3A_189, %reduce_max3A_190 [1] : vector<576x576xf32> to vector<576xf32>
    %broadcast_in_dim3A_192 = vector.shape_cast %reduce_max3A_191 : vector<576xf32> to vector<576x1xf32>
    %sub3A_193 = vector.broadcast %broadcast_in_dim3A_192 : vector<576x1xf32> to vector<576x576xf32>
    %sub3A_194 = arith.subf %select_n3A_189, %sub3A_193 : vector<576x576xf32>
    %exp3A_195 = math.exp %sub3A_194 : vector<576x576xf32>
    %reduce_sum3A_196 = arith.constant dense<0.000000e+00> : vector<576xf32>
    %reduce_sum3A_197 = vector.multi_reduction <add>, %exp3A_195, %reduce_sum3A_196 [1] : vector<576x576xf32> to vector<576xf32>
    %broadcast_in_dim3A_198 = vector.shape_cast %reduce_sum3A_197 : vector<576xf32> to vector<576x1xf32>
    %div3A_199 = vector.broadcast %broadcast_in_dim3A_198 : vector<576x1xf32> to vector<576x576xf32>
    %div3A_200 = arith.divf %exp3A_195, %div3A_199 : vector<576x576xf32>
    %dot_general3A_201 = arith.constant dense<0.000000e+00> : vector<576x64xf32>
    %dot_general3A_202 = tpu.matmul %div3A_200, %slice3A_181, %dot_general3A_201 {dimension_numbers = #tpu.dot_dimension_numbers<[1], [0], [0], [1], [0, 0, 1, 1], [], []>, transpose_lhs_hint = false} : vector<576x576xf32>, vector<576x64xf32>, vector<576x64xf32> -> vector<576x64xf32>
    %slice3A_203 = vector.extract_strided_slice %add3A_105 {offsets = [0, 256], sizes = [576, 64], strides = [1, 1]} : vector<576x1152xf32> to vector<576x64xf32>
    %slice3A_204 = vector.extract_strided_slice %add3A_105 {offsets = [0, 640], sizes = [576, 64], strides = [1, 1]} : vector<576x1152xf32> to vector<576x64xf32>
    %slice3A_205 = vector.extract_strided_slice %add3A_105 {offsets = [0, 1024], sizes = [576, 64], strides = [1, 1]} : vector<576x1152xf32> to vector<576x64xf32>
    %dot_general3A_206 = arith.constant dense<0.000000e+00> : vector<576x576xf32>
    %dot_general3A_207 = tpu.matmul %slice3A_203, %slice3A_204, %dot_general3A_206 {dimension_numbers = #tpu.dot_dimension_numbers<[1], [1], [0], [0], [0, 0, 1, 0], [], []>, transpose_lhs_hint = false} : vector<576x64xf32>, vector<576x64xf32>, vector<576x576xf32> -> vector<576x576xf32>
    %mul3A_208 = arith.constant 1.250000e-01 : f32
    %mul3A_209 = vector.broadcast %mul3A_208 : f32 to vector<576x576xf32>
    %mul3A_210 = arith.mulf %dot_general3A_207, %mul3A_209 : vector<576x576xf32>
    %jit3A_211 = arith.constant -1.000000e+30 : f32
    %broadcast_in_dim3A_212 = vector.broadcast %jit3A_211 : f32 to vector<576x576xf32>
    %select_n3A_213 = arith.select %lt3A_108, %mul3A_210, %broadcast_in_dim3A_212 : vector<576x576xi1>, vector<576x576xf32>
    %reduce_max3A_214 = arith.constant dense<0xFF800000> : vector<576xf32>
    %reduce_max3A_215 = vector.multi_reduction <maximumf>, %select_n3A_213, %reduce_max3A_214 [1] : vector<576x576xf32> to vector<576xf32>
    %broadcast_in_dim3A_216 = vector.shape_cast %reduce_max3A_215 : vector<576xf32> to vector<576x1xf32>
    %sub3A_217 = vector.broadcast %broadcast_in_dim3A_216 : vector<576x1xf32> to vector<576x576xf32>
    %sub3A_218 = arith.subf %select_n3A_213, %sub3A_217 : vector<576x576xf32>
    %exp3A_219 = math.exp %sub3A_218 : vector<576x576xf32>
    %reduce_sum3A_220 = arith.constant dense<0.000000e+00> : vector<576xf32>
    %reduce_sum3A_221 = vector.multi_reduction <add>, %exp3A_219, %reduce_sum3A_220 [1] : vector<576x576xf32> to vector<576xf32>
    %broadcast_in_dim3A_222 = vector.shape_cast %reduce_sum3A_221 : vector<576xf32> to vector<576x1xf32>
    %div3A_223 = vector.broadcast %broadcast_in_dim3A_222 : vector<576x1xf32> to vector<576x576xf32>
    %div3A_224 = arith.divf %exp3A_219, %div3A_223 : vector<576x576xf32>
    %dot_general3A_225 = arith.constant dense<0.000000e+00> : vector<576x64xf32>
    %dot_general3A_226 = tpu.matmul %div3A_224, %slice3A_205, %dot_general3A_225 {dimension_numbers = #tpu.dot_dimension_numbers<[1], [0], [0], [1], [0, 0, 1, 1], [], []>, transpose_lhs_hint = false} : vector<576x576xf32>, vector<576x64xf32>, vector<576x64xf32> -> vector<576x64xf32>
    %slice3A_227 = vector.extract_strided_slice %add3A_105 {offsets = [0, 320], sizes = [576, 64], strides = [1, 1]} : vector<576x1152xf32> to vector<576x64xf32>
    %slice3A_228 = vector.extract_strided_slice %add3A_105 {offsets = [0, 704], sizes = [576, 64], strides = [1, 1]} : vector<576x1152xf32> to vector<576x64xf32>
    %slice3A_229 = vector.extract_strided_slice %add3A_105 {offsets = [0, 1088], sizes = [576, 64], strides = [1, 1]} : vector<576x1152xf32> to vector<576x64xf32>
    %dot_general3A_230 = arith.constant dense<0.000000e+00> : vector<576x576xf32>
    %dot_general3A_231 = tpu.matmul %slice3A_227, %slice3A_228, %dot_general3A_230 {dimension_numbers = #tpu.dot_dimension_numbers<[1], [1], [0], [0], [0, 0, 1, 0], [], []>, transpose_lhs_hint = false} : vector<576x64xf32>, vector<576x64xf32>, vector<576x576xf32> -> vector<576x576xf32>
    %mul3A_232 = arith.constant 1.250000e-01 : f32
    %mul3A_233 = vector.broadcast %mul3A_232 : f32 to vector<576x576xf32>
    %mul3A_234 = arith.mulf %dot_general3A_231, %mul3A_233 : vector<576x576xf32>
    %jit3A_235 = arith.constant -1.000000e+30 : f32
    %broadcast_in_dim3A_236 = vector.broadcast %jit3A_235 : f32 to vector<576x576xf32>
    %select_n3A_237 = arith.select %lt3A_108, %mul3A_234, %broadcast_in_dim3A_236 : vector<576x576xi1>, vector<576x576xf32>
    %reduce_max3A_238 = arith.constant dense<0xFF800000> : vector<576xf32>
    %reduce_max3A_239 = vector.multi_reduction <maximumf>, %select_n3A_237, %reduce_max3A_238 [1] : vector<576x576xf32> to vector<576xf32>
    %broadcast_in_dim3A_240 = vector.shape_cast %reduce_max3A_239 : vector<576xf32> to vector<576x1xf32>
    %sub3A_241 = vector.broadcast %broadcast_in_dim3A_240 : vector<576x1xf32> to vector<576x576xf32>
    %sub3A_242 = arith.subf %select_n3A_237, %sub3A_241 : vector<576x576xf32>
    %exp3A_243 = math.exp %sub3A_242 : vector<576x576xf32>
    %reduce_sum3A_244 = arith.constant dense<0.000000e+00> : vector<576xf32>
    %reduce_sum3A_245 = vector.multi_reduction <add>, %exp3A_243, %reduce_sum3A_244 [1] : vector<576x576xf32> to vector<576xf32>
    %broadcast_in_dim3A_246 = vector.shape_cast %reduce_sum3A_245 : vector<576xf32> to vector<576x1xf32>
    %div3A_247 = vector.broadcast %broadcast_in_dim3A_246 : vector<576x1xf32> to vector<576x576xf32>
    %div3A_248 = arith.divf %exp3A_243, %div3A_247 : vector<576x576xf32>
    %dot_general3A_249 = arith.constant dense<0.000000e+00> : vector<576x64xf32>
    %dot_general3A_250 = tpu.matmul %div3A_248, %slice3A_229, %dot_general3A_249 {dimension_numbers = #tpu.dot_dimension_numbers<[1], [0], [0], [1], [0, 0, 1, 1], [], []>, transpose_lhs_hint = false} : vector<576x576xf32>, vector<576x64xf32>, vector<576x64xf32> -> vector<576x64xf32>
    %concatenate3A_251 = tpu.concatenate %dot_general3A_130, %dot_general3A_154, %dot_general3A_178, %dot_general3A_202, %dot_general3A_226, %dot_general3A_250 in 1 : vector<576x64xf32>, vector<576x64xf32>, vector<576x64xf32>, vector<576x64xf32>, vector<576x64xf32>, vector<576x64xf32> -> vector<576x384xf32>
    %get3A_252 = arith.constant 0 : index
    %get3A_253 = arith.constant 0 : index
    %get3A_254 = vector.load %arg8[%get3A_252, %get3A_253] : memref<384x384xf32, #tpu.memory_space<vmem>>, vector<384x384xf32>
    %dot_general3A_255 = arith.constant dense<0.000000e+00> : vector<576x384xf32>
    %dot_general3A_256 = tpu.matmul %concatenate3A_251, %get3A_254, %dot_general3A_255 {dimension_numbers = #tpu.dot_dimension_numbers<[1], [0], [0], [1], [0, 0, 1, 1], [], []>, transpose_lhs_hint = false} : vector<576x384xf32>, vector<384x384xf32>, vector<576x384xf32> -> vector<576x384xf32>
    %add3A_257 = arith.addf %concatenate3A, %dot_general3A_256 : vector<576x384xf32>
    %get3A_258 = arith.constant 0 : index
    %get3A_259 = vector.load %arg9[%get3A_258] : memref<384xf32, #tpu.memory_space<vmem>>, vector<384xf32>
    %broadcast_in_dim3A_260 = vector.shape_cast %get3A_259 : vector<384xf32> to vector<1x384xf32>
    %add3A_261 = vector.broadcast %broadcast_in_dim3A_260 : vector<1x384xf32> to vector<576x384xf32>
    %add3A_262 = arith.addf %add3A_257, %add3A_261 : vector<576x384xf32>
    %get3A_263 = arith.constant 0 : index
    %get3A_264 = vector.load %arg10[%get3A_263] : memref<384xf32, #tpu.memory_space<vmem>>, vector<384xf32>
    %get3A_265 = arith.constant 0 : index
    %get3A_266 = vector.load %arg11[%get3A_265] : memref<384xf32, #tpu.memory_space<vmem>>, vector<384xf32>
    %reduce_sum3A_267 = arith.constant dense<0.000000e+00> : vector<576xf32>
    %reduce_sum3A_268 = vector.multi_reduction <add>, %add3A_262, %reduce_sum3A_267 [1] : vector<576x384xf32> to vector<576xf32>
    %broadcast_in_dim3A_269 = vector.shape_cast %reduce_sum3A_268 : vector<576xf32> to vector<576x1xf32>
    %div3A_270 = arith.constant 3.840000e+02 : f32
    %div3A_271 = vector.broadcast %div3A_270 : f32 to vector<576x1xf32>
    %div3A_272 = arith.divf %broadcast_in_dim3A_269, %div3A_271 : vector<576x1xf32>
    %jit3A_273 = arith.constant 0 : i32
    %reduce_sum3A_274 = arith.constant dense<0.000000e+00> : vector<576xf32>
    %reduce_sum3A_275 = vector.multi_reduction <add>, %add3A_262, %reduce_sum3A_274 [1] : vector<576x384xf32> to vector<576xf32>
    %broadcast_in_dim3A_276 = vector.shape_cast %reduce_sum3A_275 : vector<576xf32> to vector<576x1xf32>
    %div3A_277 = arith.constant 3.840000e+02 : f32
    %div3A_278 = vector.broadcast %div3A_277 : f32 to vector<576x1xf32>
    %div3A_279 = arith.divf %broadcast_in_dim3A_276, %div3A_278 : vector<576x1xf32>
    %sub3A_280 = vector.broadcast %div3A_279 : vector<576x1xf32> to vector<576x384xf32>
    %sub3A_281 = arith.subf %add3A_262, %sub3A_280 : vector<576x384xf32>
    %square3A_282 = arith.mulf %sub3A_281, %sub3A_281 : vector<576x384xf32>
    %convert_element_type3A_283 = arith.sitofp %jit3A_273 : i32 to f32
    %sub3A_284 = arith.constant 3.840000e+02 : f32
    %sub3A_285 = arith.subf %sub3A_284, %convert_element_type3A_283 : f32
    %reduce_sum3A_286 = arith.constant dense<0.000000e+00> : vector<576xf32>
    %reduce_sum3A_287 = vector.multi_reduction <add>, %square3A_282, %reduce_sum3A_286 [1] : vector<576x384xf32> to vector<576xf32>
    %broadcast_in_dim3A_288 = vector.shape_cast %reduce_sum3A_287 : vector<576xf32> to vector<576x1xf32>
    %div3A_289 = vector.broadcast %sub3A_285 : f32 to vector<576x1xf32>
    %div3A_290 = arith.divf %broadcast_in_dim3A_288, %div3A_289 : vector<576x1xf32>
    %gt3A_291 = arith.constant 0.000000e+00 : f32
    %gt3A_292 = arith.cmpf ogt, %sub3A_285, %gt3A_291 : f32
    %jit3A_293 = arith.constant 0x7FC00000 : f32
    %broadcast_in_dim3A_294 = vector.broadcast %jit3A_293 : f32 to vector<576x1xf32>
    %select_n3A_295 = arith.select %gt3A_292, %div3A_290, %broadcast_in_dim3A_294 : vector<576x1xf32>
    %sub3A_296 = vector.broadcast %div3A_272 : vector<576x1xf32> to vector<576x384xf32>
    %sub3A_297 = arith.subf %add3A_262, %sub3A_296 : vector<576x384xf32>
    %add3A_298 = arith.constant 9.99999997E-7 : f32
    %add3A_299 = vector.broadcast %add3A_298 : f32 to vector<576x1xf32>
    %add3A_300 = arith.addf %select_n3A_295, %add3A_299 : vector<576x1xf32>
    %sqrt3A_301 = math.sqrt %add3A_300 : vector<576x1xf32>
    %div3A_302 = vector.broadcast %sqrt3A_301 : vector<576x1xf32> to vector<576x384xf32>
    %div3A_303 = arith.divf %sub3A_297, %div3A_302 : vector<576x384xf32>
    %broadcast_in_dim3A_304 = vector.shape_cast %get3A_264 : vector<384xf32> to vector<1x384xf32>
    %mul3A_305 = vector.broadcast %broadcast_in_dim3A_304 : vector<1x384xf32> to vector<576x384xf32>
    %mul3A_306 = arith.mulf %div3A_303, %mul3A_305 : vector<576x384xf32>
    %broadcast_in_dim3A_307 = vector.shape_cast %get3A_266 : vector<384xf32> to vector<1x384xf32>
    %add3A_308 = vector.broadcast %broadcast_in_dim3A_307 : vector<1x384xf32> to vector<576x384xf32>
    %add3A_309 = arith.addf %mul3A_306, %add3A_308 : vector<576x384xf32>
    %get3A_310 = arith.constant 0 : index
    %get3A_311 = arith.constant 0 : index
    %get3A_312 = vector.load %arg12[%get3A_310, %get3A_311] : memref<384x1536xf32, #tpu.memory_space<vmem>>, vector<384x1536xf32>
    %dot_general3A_313 = arith.constant dense<0.000000e+00> : vector<576x1536xf32>
    %dot_general3A_314 = tpu.matmul %add3A_309, %get3A_312, %dot_general3A_313 {dimension_numbers = #tpu.dot_dimension_numbers<[1], [0], [0], [1], [0, 0, 1, 1], [], []>, transpose_lhs_hint = false} : vector<576x384xf32>, vector<384x1536xf32>, vector<576x1536xf32> -> vector<576x1536xf32>
    %get3A_315 = arith.constant 0 : index
    %get3A_316 = vector.load %arg13[%get3A_315] : memref<1536xf32, #tpu.memory_space<vmem>>, vector<1536xf32>
    %broadcast_in_dim3A_317 = vector.shape_cast %get3A_316 : vector<1536xf32> to vector<1x1536xf32>
    %add3A_318 = vector.broadcast %broadcast_in_dim3A_317 : vector<1x1536xf32> to vector<576x1536xf32>
    %add3A_319 = arith.addf %dot_general3A_314, %add3A_318 : vector<576x1536xf32>
    %mul3A_320 = arith.constant 5.000000e-01 : f32
    %mul3A_321 = vector.broadcast %mul3A_320 : f32 to vector<576x1536xf32>
    %mul3A_322 = arith.mulf %mul3A_321, %add3A_319 : vector<576x1536xf32>
    %mul3A_323 = arith.constant 0.707106769 : f32
    %mul3A_324 = vector.broadcast %mul3A_323 : f32 to vector<576x1536xf32>
    %mul3A_325 = arith.mulf %add3A_319, %mul3A_324 : vector<576x1536xf32>
    %erf3A = math.erf %mul3A_325 : vector<576x1536xf32>
    %add3A_326 = arith.constant 1.000000e+00 : f32
    %add3A_327 = vector.broadcast %add3A_326 : f32 to vector<576x1536xf32>
    %add3A_328 = arith.addf %add3A_327, %erf3A : vector<576x1536xf32>
    %mul3A_329 = arith.mulf %mul3A_322, %add3A_328 : vector<576x1536xf32>
    %get3A_330 = arith.constant 0 : index
    %get3A_331 = arith.constant 0 : index
    %get3A_332 = vector.load %arg14[%get3A_330, %get3A_331] : memref<1536x384xf32, #tpu.memory_space<vmem>>, vector<1536x384xf32>
    %dot_general3A_333 = arith.constant dense<0.000000e+00> : vector<576x384xf32>
    %dot_general3A_334 = tpu.matmul %mul3A_329, %get3A_332, %dot_general3A_333 {dimension_numbers = #tpu.dot_dimension_numbers<[1], [0], [0], [1], [0, 0, 1, 1], [], []>, transpose_lhs_hint = false} : vector<576x1536xf32>, vector<1536x384xf32>, vector<576x384xf32> -> vector<576x384xf32>
    %add3A_335 = arith.addf %add3A_262, %dot_general3A_334 : vector<576x384xf32>
    %get3A_336 = arith.constant 0 : index
    %get3A_337 = vector.load %arg15[%get3A_336] : memref<384xf32, #tpu.memory_space<vmem>>, vector<384xf32>
    %broadcast_in_dim3A_338 = vector.shape_cast %get3A_337 : vector<384xf32> to vector<1x384xf32>
    %add3A_339 = vector.broadcast %broadcast_in_dim3A_338 : vector<1x384xf32> to vector<576x384xf32>
    %add3A_340 = arith.addf %add3A_335, %add3A_339 : vector<576x384xf32>
    %swap3A = arith.constant 0 : index
    %swap3A_341 = arith.constant 0 : index
    %swap3A_342 = arith.constant 0 : index
    %swap3A_343 = vector.load %arg16[%swap3A, %swap3A_341, %swap3A_342] : memref<1x576x384xf32, #tpu.memory_space<vmem>>, vector<1x576x384xf32>
    %swap3A_344 = vector.shape_cast %swap3A_343 : vector<1x576x384xf32> to vector<576x384xf32>
    %swap3A_345 = vector.shape_cast %add3A_340 : vector<576x384xf32> to vector<1x576x384xf32>
    tpu.vector_store %arg16[%swap3A, %swap3A_341, %swap3A_342], %swap3A_345 {strides = array<i32>} : memref<1x576x384xf32, #tpu.memory_space<vmem>>, vector<1x576x384xf32>,
    return
  }
  func.func @transform_0(%arg0: i32) -> (i32, i32, i32) {
    %c0_i32 = arith.constant 0 : i32
    %c0_i32_0 = arith.constant 0 : i32
    %c0_i32_1 = arith.constant 0 : i32
    return %arg0, %c0_i32, %c0_i32_0 : i32, i32, i32
  }
  func.func @transform_1(%arg0: i32) -> (i32, i32, i32) {
    %c0_i32 = arith.constant 0 : i32
    %c0_i32_0 = arith.constant 0 : i32
    %c0_i32_1 = arith.constant 0 : i32
    return %arg0, %c0_i32, %c0_i32_0 : i32, i32, i32
  }
  func.func @transform_2(%arg0: i32) -> (i32, i32, i32) {
    %c0_i32 = arith.constant 0 : i32
    %c0_i32_0 = arith.constant 0 : i32
    %c0_i32_1 = arith.constant 0 : i32
    return %arg0, %c0_i32, %c0_i32_0 : i32, i32, i32
  }
  func.func @transform_3(%arg0: i32) -> i32 {
    %c0_i32 = arith.constant 0 : i32
    %c0_i32_0 = arith.constant 0 : i32
    return %c0_i32 : i32
  }
  func.func @transform_4(%arg0: i32) -> i32 {
    %c0_i32 = arith.constant 0 : i32
    %c0_i32_0 = arith.constant 0 : i32
    return %c0_i32 : i32
  }
  func.func @transform_5(%arg0: i32) -> (i32, i32) {
    %c0_i32 = arith.constant 0 : i32
    %c0_i32_0 = arith.constant 0 : i32
    %c0_i32_1 = arith.constant 0 : i32
    return %c0_i32, %c0_i32_0 : i32, i32
  }
  func.func @transform_6(%arg0: i32) -> i32 {
    %c0_i32 = arith.constant 0 : i32
    %c0_i32_0 = arith.constant 0 : i32
    return %c0_i32 : i32
  }
  func.func @transform_7(%arg0: i32) -> (i32, i32) {
    %c0_i32 = arith.constant 0 : i32
    %c0_i32_0 = arith.constant 0 : i32
    %c0_i32_1 = arith.constant 0 : i32
    return %c0_i32, %c0_i32_0 : i32, i32
  }
  func.func @transform_8(%arg0: i32) -> i32 {
    %c0_i32 = arith.constant 0 : i32
    %c0_i32_0 = arith.constant 0 : i32
    return %c0_i32 : i32
  }
  func.func @transform_9(%arg0: i32) -> i32 {
    %c0_i32 = arith.constant 0 : i32
    %c0_i32_0 = arith.constant 0 : i32
    return %c0_i32 : i32
  }
  func.func @transform_10(%arg0: i32) -> i32 {
    %c0_i32 = arith.constant 0 : i32
    %c0_i32_0 = arith.constant 0 : i32
    return %c0_i32 : i32
  }
  func.func @transform_11(%arg0: i32) -> (i32, i32) {
    %c0_i32 = arith.constant 0 : i32
    %c0_i32_0 = arith.constant 0 : i32
    %c0_i32_1 = arith.constant 0 : i32
    return %c0_i32, %c0_i32_0 : i32, i32
  }
  func.func @transform_12(%arg0: i32) -> i32 {
    %c0_i32 = arith.constant 0 : i32
    %c0_i32_0 = arith.constant 0 : i32
    return %c0_i32 : i32
  }
  func.func @transform_13(%arg0: i32) -> (i32, i32) {
    %c0_i32 = arith.constant 0 : i32
    %c0_i32_0 = arith.constant 0 : i32
    %c0_i32_1 = arith.constant 0 : i32
    return %c0_i32, %c0_i32_0 : i32, i32
  }
  func.func @transform_14(%arg0: i32) -> i32 {
    %c0_i32 = arith.constant 0 : i32
    %c0_i32_0 = arith.constant 0 : i32
    return %c0_i32 : i32
  }
  func.func @transform_15(%arg0: i32) -> (i32, i32, i32) {
    %c0_i32 = arith.constant 0 : i32
    %c0_i32_0 = arith.constant 0 : i32
    %c0_i32_1 = arith.constant 0 : i32
    return %arg0, %c0_i32, %c0_i32_0 : i32, i32, i32
  }
}

</mosaic_0001>

<sc_bundles>
// kernel: sparse-core-data-format-call.cloned.1.call-start
scs
called_computation_lowered:
.L_overlay_start_0:
0x0: {  	s1 =	sld [smem:$0x3FD9]  }
0x1: {  	s2 =	sld [smem:$0x3FFE];
	_ =	sdelay $0x1  }
0x2: {  	s3 =	srdreg.scid  }
0x3: {  	s0 =	sand.u32 $0x1, s3  }
0x4: {  	s17 =	sshll.u32 s0, $0xA;
	s1 =	sadd.s32 s2, s1  }
0x5: {  	s1 =	sadd.s32 s1, s17  }
0x6: {  	[smem:$0x3FBB] =	sst s1  }
0x7: {  	_ = 	snop  }
0x8: {  	(tm) =	ssettm $0x1  }
0x9: {  	s18 =	sld [smem:$0x3FFB];
	_ =	sdelay $0x3  }
0xa: {  	_ =	strace s18  }
0xb: {  	s1 =	sld [smem:$0x3FFC];
	_ =	sdelay $0x3  }
0xc: {  	_ =	strace s1  }
0xd: {  	s1 =	sld [smem:$0x3FFD];
	_ =	sdelay $0x3  }
0xe: {  	_ =	strace s1  }
0xf: {  	_ =	strace $0x8FFFFFFF  }
0x10: {  	s19 =	sld [smem:$0x3FDB];
	_ =	sdelay $0x1  }
0x11: {  	s20 =	simm.s32 $_scs_section_size  }
0x12: {  	s4 =	simm.s32 $_size__tile_overlayer_lowered;
	s5 =	simm.s32 $_tile_overlayer_lowered  }
0x13: {  	s23 =	simm.s32 $0x1BFF;
	s22 =	sshll.u32 s5, $0x1;
	s1 =	sadd.s32 s20, s19  }
0x14: {  	s6 =	simm.s32 $0x0;
	s21 =	sshll.u32 s4, $0x1;
	s4 =	sadd.s32 s22, s1  }
0x15: {  	[timem:s6], [sflag:s23] =	dma.local [hbm:s4], s21  }
0x16: {  	_ =	swait.ge [sflag:s23], s21  }
0x17: {  	s2 =	ssub.s32 $0x0, s21;
	[sflag:s23] =	ssyncset.done $0x0  }
0x18: {  	[sflag:s23] =	ssyncadd.s32 s2;
	_ =	sdelay $0x1  }
0x19: {  	s24 =	simm.s32 $0x1B8B  }
0x1a: {  	_ =	swait.ge [sflag:s24], $0x1  }
0x1b: {  	[sflag:s24] =	ssyncset.done $0x0  }
0x1c: {  	s26 =	simm.s32 $0x1B8E;
	s25 =	sld [smem:$0x3FFE];
	[sflag:s24] =	ssyncadd.s32 $0xFFFFFFFF  }
0x1d: {  	s27 =	simm.s32 $execute0_lowered;
	[smem:$0x3FD2] =	sst s26  }
0x1e: {  	s4 =	sshll.u32 s27, $0x1;
	_ =	strace $0x80000046;
	[dreg:$0x1] =	wrdreg $0xFFFFFFFF  }
0x1f: {  	s28 =	simm.s32 $_size_execute0_lowered;
	s1 =	sadd.s32 s1, s4;
	[dreg:$0x0] =	wrdreg $0x0  }
0x20: {  	s4 =	sshll.u32 s28, $0x1;
	[dreg:$0x2] =	wrdreg s1  }
0x21: {  	[dreg:$0x3] =	wrdreg s4  }
0x22: {  	[dreg:$0x4] =	wrdreg $0xC0  }
0x23: {  	_ =	task [dreg:s6], $0x5FFFF  }
0x24: {  	[dreg:$0x1] =	wrdreg $0xFFFFFFFF  }
0x25: {  	[dreg:$0x0] =	wrdreg $0x60  }
0x26: {  	[dreg:$0x2] =	wrdreg s25  }
0x27: {  	[dreg:$0x3] =	wrdreg $0x9  }
0x28: {  	_ =	task.clear_ibuf [dreg:s6], $0x4FFFF;
	_ =	strace $0x90000046  }
0x29: {  	s29 =	simm.s32 $0x9;
	_ =	strace $0x80000048  }
0x2a: {  	_ =	swait.ge [sflag:s29], $0x1  }
0x2b: {  	[sflag:s29] =	ssyncadd.s32 $0xFFFFFFFF  }
0x2c: {  	_ =	strace $0x90000048  }
0x2d: {  	_ =	sfence  }
0x2e: {  	s30 =	sld [smem:$0x0];
	_ =	sdelay $0x2  }
0x2f: {  	s31 =	sshll.u32 s3, $0xD;
	s3 =	sshrl.u32 s3, $0x2  }
0x30: {  	s2 =	sand.u32 $0x4000, s31;
	s1 =	sadd.s32 s3, s30  }
0x31: {  	s0 =	sor.u32 s2, s0;
	s1 =	sshll.u32 s1, $0x11  }
0x32: {  	s0 =	sor.u32 s1, s0  }
0x33: {  	s0 =	sadd.s32 $0x8F2B, s0  }
0x34: {  	[sflag:s0] =	ssyncadd.remote.s32 $0x1  }
0x35: {  	_ =	sfence.sel $0xFFFF  }
0x36: {  	[dreg:$0x0] =	wrdreg $0xFFFFFFFF;
	(pc) =	sbr.abs _section_cstart, $3  }
0x37: {  	[dreg:$0x1] =	wrdreg $0xFFFFFFFF  }
0x38: {  	_ =	task.clear_ibuf [dreg:s6], $0x2FFFF;
	_ =	strace $0x9FFFFFFF  }
0x39: {  	(tm) =	ssettm $0x7FFFFFFF  }
tec
execute0_lowered:
.L_overlay_start_1:
0x0: {  	(tag) =	ssettag $0x1  }
0x1: {  	s2 =	rddreg [dreg:$0x0]  }
0x2: {  	s0 =	rddreg [dreg:$0x1]  }
0x3: {  	s1 =	srdreg.scid;
	_ =	strace $0x80000047;
	s6 =	simm.s32 $0x2  }
0x4: {  	s13 =	simm.s32 $0x0;
	p0 =	por $0x0, $0x0;
	s12 =	simm.s32 $0x0  }
.Ltmp0:
0x5: {  	s11 =	simm.s32 $0x0;
	s8 =	simm.s32 $0x0;
	(pc) =	sbr.rel .LBB1_1-.Ltmp0, $4  }
0x6: {  	s9 =	simm.s32 $0x0;
	s7 =	simm.s32 $0x0;
	s4 =	sshll.u32 s1, $0x4  }
0x7: {  	s1 =	stileid.u32;
	s5 =	sand.u32 $0x10, s4;
	s4 =	simm.s32 $0x1  }
0x8: {  	s3 =	sadd.s32 $0x291000, s2;
	s5 =	sor.u32 s1, s5;
	[sflag:s4] =	ssyncpa.u1 $0x0  }
0x9: {  	[sflag:s6] =	ssyncpa.u1 $0x0;
	s6 =	simm.s32 $0x1400;
	s10 =	smov.u32 s5  }
.LBB1_5:
0xa: {  	s14 =	sadd.s32 $0x80, s8  }
0xb: {  	s11 =	sadd.s32 $0x80, s9;
	s15 =	smov.u32 s9;
	p2 =	sgt.s32 s14, $0x47F  }
0xc: {  	s15 =	smov.u32 @p2 s11  }
0xd: {  	s17 =	smov.u32 s10;
	s11 =	sadd.s32 $0x20, s10;
	p3 =	sgt.s32 s15, $0x240  }
0xe: {  	p1 =	slt.u32 s7, $0x2;
	s17 =	smov.u32 @p3 s11  }
0xf: {  	s7 =	sadd.s32 $0x1, s7;
	s14 =	simm.s32 @p2 $0x0;
	p2 =	sgt.s32 s17, $0x1F  }
0x10: {  	s17 =	smov.u32 @p2 s5;
	p2 =	sne.s32 s7, $0x2F  }
.Ltmp1:
0x11: {  	s16 =	simm.s32 @!p1 $0x2;
	(pc) =	sbr.rel @!p2 .LBB1_6-.Ltmp1, $4  }
0x12: {  	s13 =	smov.u32 s8;
	_ =	swait.ge @!p1 [sflag:s16], $0x4000  }
0x13: {  	s12 =	smov.u32 s9;
	p0 =	por !p0, !p0;
	[sflag:s16] =	ssyncset.done @!p1 $0x0  }
0x14: {  	s8 =	smov.u32 s14;
	s15 =	simm.s32 @p3 $0x0;
	s11 =	smov.u32 s10  }
0x15: {  	[sflag:s16] =	ssyncadd.s32 @!p1 $0xFFFFC000;
	s9 =	smov.u32 s15;
	s10 =	smov.u32 s17  }
.LBB1_1:
0x16: {  	p1 =	sgt.u32 s7, $0x2C  }
0x17: {  	s19 =	smov.u32 s8;
	s14 =	sshrl.u32 @!p1 s9, $0x3  }
0x18: {  	s15 =	sshll.u32 @!p1 s8, $0x3;
	p2 =	sgt.s32 @!p1 s10, $0x1F;
	s14 =	smul.u32 @!p1 $0x2400, s14  }
0x19: {  	s16 =	sshra.s32 @!p1 s10, $0x1F;
	s17 =	sshll.u32 @!p1 s9, $0x7;
	s15 =	sand.u32 @!p1 $0xFFFFFC00, s15  }
0x1a: {  	p2 =	por !p2, p1;
	s14 =	sadd.s32 @!p1 s14, s15;
	s15 =	smov.u32 s10  }
0x1b: {  	s16 =	sand.u32 @!p1 s16, s10;
	s17 =	sand.u32 @!p1 $0x380, s17;
	s15 =	simm.s32 @p2 $0x1F  }
0x1c: {  	p2 =	sgt.s32 @!p1 s9, $0x1C8;
	s14 =	sor.u32 @!p1 s17, s14;
	s15 =	ssub.s32 @!p1 s15, s16  }
0x1d: {  	s17 =	smov.u32 s9;
	p2 =	por !p2, p1;
	s16 =	sadd.s32 @!p1 $0xFFFFFFE1, s15  }
0x1e: {  	s17 =	simm.s32 @p2 $0x1C8;
	p2 =	sgt.s32 @!p1 s16, $0x0;
	s16 =	sshra.s32 @!p1 s9, $0x1F  }
0x1f: {  	s15 =	ssub.s32 @!p1 $0x20, s15;
	p2 =	por !p2, p1;
	s16 =	sand.u32 @!p1 s16, s9  }
0x20: {  	s15 =	simm.s32 @!p2 $0x0;
	s16 =	ssub.s32 @!p1 s17, s16;
	p2 =	sgt.s32 @!p1 s8, $0x400  }
0x21: {  	s17 =	smulhi.u32 @!p1 $0x38E38E39, s14;
	s18 =	sadd.s32 @!p1 $0xFFFFFE38, s16;
	p2 =	por !p2, p1  }
0x22: {  	s19 =	simm.s32 @p2 $0x400;
	p2 =	sgt.s32 @!p1 s18, $0x7F;
	s18 =	sshra.s32 @!p1 s8, $0x1F  }
0x23: {  	s16 =	ssub.s32 @!p1 $0x248, s16;
	p2 =	por !p2, p1;
	s18 =	sand.u32 @!p1 s18, s8  }
0x24: {  	s17 =	sshrl.u32 @!p1 s17, $0x8;
	s18 =	ssub.s32 @!p1 s19, s18;
	s16 =	simm.s32 @!p2 $0x0  }
0x25: {  	s19 =	sand.u32 @!p1 $0x7F, s8;
	s15 =	smul.u32 @!p1 s15, s16;
	s16 =	sadd.s32 @!p1 $0xFFFFFC00, s18  }
0x26: {  	s14 =	sor.u32 @!p1 s19, s14;
	s19 =	smulhi.u32 @!p1 $0x70381D, s17;
	p2 =	sgt.s32 @!p1 s16, $0x7F  }
0x27: {  	s18 =	ssub.s32 @!p1 $0x480, s18;
	s16 =	smulhi.u32 @!p1 $0x38E38E39, s14;
	p2 =	por !p2, p1  }
0x28: {  	s19 =	smul.u32 @!p1 $0x248, s19;
	s18 =	simm.s32 @!p2 $0x0  }
0x29: {  	s16 =	sshrl.u32 @!p1 s16, $0x8;
	s15 =	smul.u32 @!p1 s18, s15  }
0x2a: {  	s18 =	sxor.u32 @!p1 $0xFFFFFFFF, s7;
	s16 =	smul.u32 @!p1 $0x480, s16  }
0x2b: {  	s17 =	ssub.s32 @!p1 s17, s19;
	s19 =	smul.u32 @!p1 $0x14880, s10;
	s18 =	sshll.u32 @!p1 s18, $0xE  }
0x2c: {  	s18 =	sand.u32 @!p1 $0x4000, s18;
	s14 =	ssub.s32 @!p1 s14, s16;
	s16 =	smul.u32 @!p1 $0x90, s17  }
0x2d: {  	s15 =	sand.u32 @!p1 $0x3FFFFFFF, s15;
	s17 =	sadd.s32 @!p1 s2, s19;
	s19 =	sand.u32 @!p1 $0x7, s14  }
0x2e: {  	s14 =	sshrl.u32 @!p1 s14, $0x3;
	s16 =	sadd.s32 @!p1 s16, s17;
	s17 =	sshll.u32 @!p1 s19, $0x12  }
0x2f: {  	s14 =	sadd.s32 @!p1 s14, s16;
	s16 =	sor.u32 @!p1 $0x400, s17;
	s17 =	simm.s32 @!p1 $0x2400  }
0x30: {  	[tilespmem:s18], [sflag:$0x1] =	stream.strided.gather @!p1 [hbm4b:s14+s16], s15, s17, s16, $0x38;
	[tilespmem:$0x10100] =	vst v63  }
0x31: {  	p1 =	seq.s32 s7, $0x0  }
0x32: {  	p2 =	seq.s32 @!p1 s7, $0x2E  }
0x33: {  	p1 =	por p1, p2  }
.Ltmp2:
0x34: {  	_ = 	snop;
	(pc) =	sbr.rel @p1 .LBB1_5-.Ltmp2, $1  }
0x35: {  	_ =	sdelay $0x3  }
0x36: {  	p1 =	sgt.s32 s11, $0x1F;
	s14 =	smov.u32 s11;
	s15 =	sshra.s32 s11, $0x1F  }
0x37: {  	s14 =	simm.s32 @!p1 $0x1F;
	s15 =	sand.u32 s15, s11  }
0x38: {  	s14 =	ssub.s32 s14, s15  }
0x39: {  	p2 =	sgt.s32 s12, $0x1C8;
	s16 =	sshra.s32 s12, $0x1F;
	s15 =	sadd.s32 $0xFFFFFFE1, s14  }
0x3a: {  	s17 =	sshra.s32 s13, $0x1F;
	p1 =	sgt.s32 s15, $0x0;
	s15 =	smov.u32 s12  }
0x3b: {  	s16 =	sand.u32 s16, s12;
	s17 =	sand.u32 s17, s13;
	s15 =	simm.s32 @!p2 $0x1C8  }
0x3c: {  	p2 =	sgt.s32 s13, $0x400;
	s15 =	ssub.s32 s15, s16;
	s16 =	smov.u32 s13  }
0x3d: {  	s14 =	ssub.s32 $0x20, s14;
	s18 =	sadd.s32 $0xFFFFFE38, s15;
	s16 =	simm.s32 @!p2 $0x400  }
0x3e: {  	s15 =	ssub.s32 $0x248, s15;
	p2 =	sgt.s32 s18, $0x7F;
	s16 =	ssub.s32 s16, s17  }
0x3f: {  	s14 =	simm.s32 @p1 $0x0;
	s15 =	simm.s32 @p2 $0x0;
	s17 =	sadd.s32 $0xFFFFFC00, s16  }
0x40: {  	s14 =	smul.u32 s14, s15;
	p1 =	sgt.s32 s17, $0x7F;
	s15 =	ssub.s32 $0x480, s16  }
0x41: {  	s15 =	simm.s32 @p1 $0x0  }
0x42: {  	s14 =	smul.u32 s15, s14;
	_ =	sdelay $0x1  }
0x43: {  	s15 =	simm.s32 $0x1;
	s14 =	sand.u32 $0x3FFFFFFF, s14  }
0x44: {  	s15 =	simm.s32 @!p0 $0x0;
	_ =	swait.ge [sflag:s4], s14  }
0x45: {  	s29 =	sshll.u32 s15, $0xE;
	s14 =	ssub.s32 $0x0, s14;
	[sflag:s4] =	ssyncset.done $0x0  }
0x46: {  	s16 =	sor.u32 $0x40, s29;
	[sflag:s4] =	ssyncadd.s32 s14  }
0x47: {  	s30 =	smul.u32 $0x10200, s15;
	v0 =	vld [tilespmem:s16+$0x30]  }
0x48: {  	v1 =	vld [tilespmem:s16+$0xFFFFFFD0]  }
0x49: {  	s14 =	sshrl.u32 s30, $0x2;
	v5 =	vld [tilespmem:s16+$0xFFFFFFE0]  }
0x4a: {  	s15 =	sor.u32 $0x8000, s14;
	v6 =	vld [tilespmem:s16+$0xFFFFFFF0]  }
0x4b: {  	s31 =	sand.u32 $0x1, s7;
	v3 =	vld [tilespmem:s16+$0x0];
	s17 =	sadd.s32 $0x0, s15  }
0x4c: {  	s14 =	smul.u32 $0x10200, s31;
	v4 =	vld [tilespmem:s16+$0x10];
	[tilespmem:s17+$0x3870 ss:$0x81] =	vst.msk $0xffff, v0  }
0x4d: {  	v2 =	vld [tilespmem:s16+$0x20];
	[tilespmem:s17+$0x810 ss:$0x81] =	vst.msk $0xffff, v1  }
0x4e: {  	s14 =	sshrl.u32 s14, $0x2;
	v0 =	vld [tilespmem:s16+$0xFFFFFFC0];
	[tilespmem:s17+$0x1020 ss:$0x81] =	vst.msk $0xffff, v5;
	s16 =	sadd.s32 $0x80, s16  }
0x4f: {  	s19 =	simm.s32 $0x8;
	s18 =	simm.s32 $0x4;
	s14 =	sor.u32 $0x8000, s14;
	[tilespmem:s17+$0x1830 ss:$0x81] =	vst.msk $0xffff, v6;
	v1 =	vld [tilespmem:s16+$0x30]  }
.LBB1_3:
0x50: {  	p1 =	sne.s32 s19, $0x1FC;
	v5 =	vld [tilespmem:s16+$0xFFFFFFD0];
	[tilespmem:s17+$0x2040 ss:$0x81] =	vst.msk $0xffff, v3  }
0x51: {  	v6 =	vld [tilespmem:s16+$0xFFFFFFE0];
	[tilespmem:s17+$0x2850 ss:$0x81] =	vst.msk $0xffff, v4  }
0x52: {  	s20 =	sshra.s32 s18, $0x2;
	s18 =	smov.u32 s19;
	v7 =	vld [tilespmem:s16+$0xFFFFFFF0];
	[tilespmem:s17+$0x3060 ss:$0x81] =	vst.msk $0xffff, v2  }
.Ltmp3:
0x53: {  	v3 =	vld [tilespmem:s16+$0x0];
	[tilespmem:s17+$0x0 ss:$0x81] =	vst.msk $0xffff, v0;
	s17 =	sadd.s32 s20, s15;
	(pc) =	sbr.rel @p1 .LBB1_3-.Ltmp3, $4  }
0x54: {  	v4 =	vld [tilespmem:s16+$0x10];
	[tilespmem:s17+$0x3870 ss:$0x81] =	vst.msk $0xffff, v1  }
0x55: {  	[tilespmem:s17+$0x810 ss:$0x81] =	vst.msk $0xffff, v5;
	v2 =	vld [tilespmem:s16+$0x20]  }
0x56: {  	v0 =	vld [tilespmem:s16+$0xFFFFFFC0];
	[tilespmem:s17+$0x1020 ss:$0x81] =	vst.msk $0xffff, v6;
	s16 =	sadd.s32 $0x80, s16  }
0x57: {  	s19 =	sadd.s32 $0x4, s19;
	v1 =	vld [tilespmem:s16+$0x30];
	[tilespmem:s17+$0x1830 ss:$0x81] =	vst.msk $0xffff, v7  }
0x58: {  	s19 =	sshrl.u32 s13, $0x3  }
0x59: {  	s20 =	sshll.u32 s12, $0x3;
	s19 =	smul.u32 $0x1400, s19  }
0x5a: {  	s25 =	sshll.u32 s13, $0x7;
	s20 =	sand.u32 $0xFFFFFC00, s20  }
0x5b: {  	s13 =	sand.u32 $0x380, s25;
	s19 =	sadd.s32 s20, s19  }
0x5c: {  	s13 =	sor.u32 s13, s19  }
0x5d: {  	s19 =	smulhi.u32 $0xCCCCCCCD, s13;
	_ =	sdelay $0x1  }
0x5e: {  	v5 =	vld [tilespmem:s16+$0xFFFFFFD0];
	[tilespmem:s17+$0x2040 ss:$0x81] =	vst.msk $0xffff, v3;
	s19 =	sshrl.u32 s19, $0x9  }
0x5f: {  	v58 =	vld [tilespmem:s16+$0xFFFFFFE0];
	s26 =	sand.u32 $0x7F, s12;
	[tilespmem:s17+$0x2850 ss:$0x81] =	vst.msk $0xffff, v4;
	s27 =	smulhi.u32 $0x71C71D, s19  }
0x60: {  	s18 =	sshra.s32 s18, $0x2;
	v59 =	vld [tilespmem:s16+$0xFFFFFFF0];
	[tilespmem:s17+$0x3060 ss:$0x81] =	vst.msk $0xffff, v2;
	s12 =	sor.u32 s26, s13  }
0x61: {  	v60 =	vld [tilespmem:s16+$0x0];
	s15 =	sadd.s32 s18, s15;
	[tilespmem:s17+$0x0 ss:$0x81] =	vst.msk $0xffff, v0;
	s28 =	smulhi.u32 $0xCCCCCCCD, s12;
	s13 =	sshrl.u32 s27, $0x1  }
0x62: {  	v61 =	vld [tilespmem:s16+$0x10];
	[tilespmem:s15+$0x3870 ss:$0x81] =	vst.msk $0xffff, v1;
	s13 =	smul.u32 $0x480, s13  }
0x63: {  	v62 =	vld [tilespmem:s16+$0x20];
	s11 =	smul.u32 $0x16800, s11;
	[tilespmem:s15+$0x810 ss:$0x81] =	vst.msk $0xffff, v5;
	s17 =	sshrl.u32 s28, $0x9  }
0x64: {  	v63 =	vld [tilespmem:s16+$0xFFFFFFC0];
	[tilespmem:s15+$0x1020 ss:$0x81] =	vst.msk $0xffff, v58;
	s29 =	smul.u32 $0x280, s17;
	s13 =	ssub.s32 s19, s13  }
0x65: {  	[tilespmem:s15+$0x1830 ss:$0x81] =	vst.msk $0xffff, v59;
	s13 =	smul.u32 $0x50, s13  }
.Ltmp4:
0x66: {  	[tilespmem:s15+$0x2040 ss:$0x81] =	vst.msk $0xffff, v60;
	s12 =	ssub.s32 s12, s29;
	(pc) =	sbr.rel .LBB1_5-.Ltmp4, $4  }
0x67: {  	s11 =	sadd.s32 s3, s11;
	[tilespmem:s15+$0x2850 ss:$0x81] =	vst.msk $0xffff, v61;
	s16 =	sand.u32 $0x7, s12  }
0x68: {  	[tilespmem:s15+$0x3060 ss:$0x81] =	vst.msk $0xffff, v62;
	s12 =	sshrl.u32 s12, $0x3;
	s30 =	sshll.u32 s16, $0x12;
	s11 =	sadd.s32 s13, s11  }
0x69: {  	[tilespmem:s15+$0x0 ss:$0x81] =	vst.msk $0xffff, v63;
	s31 =	sor.u32 $0x400, s30;
	s11 =	sadd.s32 s12, s11  }
0x6a: {  	[hbm4b:s11+s31] =	stream.strided.scatter [tilespmem:s14], [sflag:$0x2], $0x4000, s6, s31, $0x20;
	[tilespmem:$0x10100] =	vst v63  }
.LBB1_6:
0x6b: {  	_ =	sfence.sel $0x180000  }
0x6c: {  	s2 =	simm.s32 $0x1;
	[bflag:$0x0] =	sbarrier.arrive $0xFFFF  }
0x6d: {  	s31 =	simm.s32 $0x2;
	[sflag:s2] =	ssyncpa.u1 $0x1  }
0x6e: {  	[sflag:s31] =	ssyncpa.u1 $0x1  }
0x6f: {  	p0 =	sne.s32 s1, $0x0;
	_ =	strace $0x90000047  }
0x70: {  	s0 =	sadd.s32 @!p0 $0x100000, s0;
	[bflag:$0x2] =	sbarrier.arrive $0xFFFF  }
0x71: {  	[sflag:s0] =	ssyncadd.tile.s32 @!p0 $0x1;
	_ =	shalt  }
.Lfunc_end1:
_tile_overlayer_lowered:
.L_overlay_start_2:
0x72: {  	(tag) =	ssettag $0x2  }
0x73: {  	s0 =	rddreg [dreg:$0x0];
	s2 =	stileid.u32  }
0x74: {  	s1 =	rddreg [dreg:$0x1];
	p0 =	sne.s32 s2, $0x0  }
0x75: {  	s3 =	rddreg [dreg:$0x2];
	[bflag:$0x3] =	sbarrier.arrive $0xFFFF;
	s2 =	simm.s32 @!p0 $0x1C01  }
0x76: {  	[timem:s3], [sflag:s2] =	dma.local @!p0 [hbm:s0], s1  }
0x77: {  	s0 =	simm.s32 @!p0 $0x1  }
0x78: {  	_ =	swait.ge @!p0 [sflag:s0], s1  }
0x79: {  	s1 =	ssub.s32 @!p0 $0x0, s1;
	[sflag:s0] =	ssyncset.done @!p0 $0x0  }
0x7a: {  	[sflag:s0] =	ssyncadd.s32 @!p0 s1  }
0x7b: {  	[bflag:$0x3] =	sbarrier.arrive $0xFFFF  }
0x7c: {  	_ =	shalt  }

</sc_bundles>
